<compile_context>
chip_gen: v7x
topology: tpu7x:2x2x1
jax: 0.10.2.dev20260603
libtpu: 0.0.44.dev20260713+nightly
codegen_flags: <defaults>
</compile_context>

<pallas_src>
import functools

import jax
import jax.numpy as jnp
from jax import lax
from jax.experimental import pallas as pl
from jax.experimental.pallas import tpu as pltpu
from jax.experimental.pallas import tpu_sc as plsc

VOCAB = 1000000
EMB = 64
OUT = 128
B = 16384
L = 200
LH = L // 2
NB = 64
LANES = 16

_info = plsc.get_sparse_core_info()
NC, NS = _info.num_cores, _info.num_subcores
NW = NC * NS
BAGS_PER_W = B // NW
CHUNKS = BAGS_PER_W // NB


def _sc_body(ids_hbm, table_hbm, sums_hbm, idx_v,
             rows_a0, rows_a1, rows_b0, rows_b1, out_v,
             sem_a0, sem_a1, sem_b0, sem_b1):
    wid = lax.axis_index("s") * NC + lax.axis_index("c")

    def issue(i, r0, r1, s0, s1):
        pltpu.async_copy(table_hbm.at[idx_v.at[i, 0]], r0, s0)
        pltpu.async_copy(table_hbm.at[idx_v.at[i, 1]], r1, s1)

    def wait(r0, r1, s0, s1):
        pltpu.make_async_copy(table_hbm.at[idx_v.at[0, 0]], r0, s0).wait()
        pltpu.make_async_copy(table_hbm.at[idx_v.at[0, 1]], r1, s1).wait()

    def reduce_into(i, r0, r1):
        def red_body(r, acc):
            return tuple(
                acc[j]
                + r0[r, pl.ds(j * LANES, LANES)]
                + r1[r, pl.ds(j * LANES, LANES)]
                for j in range(EMB // LANES)
            )

        acc = lax.fori_loop(
            0, LH, red_body,
            tuple(jnp.zeros((LANES,), jnp.float32)
                  for _ in range(EMB // LANES)),
            unroll=2)
        for j in range(EMB // LANES):
            out_v[i, pl.ds(j * LANES, LANES)] = acc[j]

    def chunk_body(ci, _):
        base = wid * BAGS_PER_W + ci * NB
        pltpu.sync_copy(ids_hbm.at[pl.ds(base, NB)], idx_v)
        issue(0, rows_a0, rows_a1, sem_a0, sem_a1)

        def pair_body(k, _):
            i0 = 2 * k
            issue(i0 + 1, rows_b0, rows_b1, sem_b0, sem_b1)
            wait(rows_a0, rows_a1, sem_a0, sem_a1)
            reduce_into(i0, rows_a0, rows_a1)

            @pl.when(k < NB // 2 - 1)
            def _():
                issue(i0 + 2, rows_a0, rows_a1, sem_a0, sem_a1)

            wait(rows_b0, rows_b1, sem_b0, sem_b1)
            reduce_into(i0 + 1, rows_b0, rows_b1)
            return ()

        lax.fori_loop(0, NB // 2, pair_body, ())
        pltpu.sync_copy(out_v, sums_hbm.at[pl.ds(base, NB)])
        return ()

    lax.fori_loop(0, CHUNKS, chunk_body, ())


_sc_pool = functools.partial(
    pl.kernel,
    out_type=jax.ShapeDtypeStruct((B, EMB), jnp.float32),
    mesh=plsc.VectorSubcoreMesh(core_axis_name="c", subcore_axis_name="s"),
    scratch_types=[
        pltpu.VMEM((NB, 2, LH), jnp.int32),
        pltpu.VMEM((LH, EMB), jnp.float32),
        pltpu.VMEM((LH, EMB), jnp.float32),
        pltpu.VMEM((LH, EMB), jnp.float32),
        pltpu.VMEM((LH, EMB), jnp.float32),
        pltpu.VMEM((NB, EMB), jnp.float32),
        pltpu.SemaphoreType.DMA,
        pltpu.SemaphoreType.DMA,
        pltpu.SemaphoreType.DMA,
        pltpu.SemaphoreType.DMA,
    ],
    compiler_params=pltpu.CompilerParams(use_tc_tiling_on_sc=False,
                                         needs_layout_passes=False),
)(_sc_body)


def _tc_matmul_body(sums_ref, w_ref, b_ref, out_ref):
    out_ref[...] = (
        lax.dot_general(sums_ref[...], w_ref[...], (((1,), (1,)), ((), ())),
                        preferred_element_type=jnp.float32)
        * (1.0 / L)
        + b_ref[...]
    )


def _tc_matmul(sums, w, b):
    blk = 2048
    return pl.pallas_call(
        _tc_matmul_body,
        grid=(B // blk,),
        in_specs=[
            pl.BlockSpec((blk, EMB), lambda i: (i, 0)),
            pl.BlockSpec((OUT, EMB), lambda i: (0, 0)),
            pl.BlockSpec((1, OUT), lambda i: (0, 0)),
        ],
        out_specs=pl.BlockSpec((blk, OUT), lambda i: (i, 0)),
        out_shape=jax.ShapeDtypeStruct((B, OUT), jnp.float32),
    )(sums, w, b)


def kernel(ids, length, emb_table, W, b):
    del length
    ids32 = ids.astype(jnp.int32).reshape(B, 2, LH)
    sums = _sc_pool(ids32, emb_table)
    return _tc_matmul(sums, W, b.reshape(1, OUT))

# --- scband reference (transcript-rebuilt; emitter-appended) ---
"""Pipeline reference for scband-bag-embedding-model-90348932039092 (READ-ONLY COPY).

The authoritative reference and input builder live on the scoring server;
editing this copy changes nothing except your own understanding.
"""

import jax, jax.numpy as jnp
import numpy as np

VOCAB = 1000000
EMB = 64
OUT = 128
PAD = 0
B = 16384
L = 200

def setup_inputs(seed: int = 0) -> dict:
    key = jax.random.key(seed)
    k1, k2, k3, k4, k5 = jax.random.split(key, 5)
    ids = jax.random.randint(k1, (B, L), 0, VOCAB, dtype=jnp.int64 if jax.config.jax_enable_x64 else jnp.int32)
    length = jax.random.randint(k2, (B,), 0, L, dtype=jnp.int64 if jax.config.jax_enable_x64 else jnp.int32)
    emb_table = jax.random.normal(k3, (VOCAB, EMB), dtype=jnp.float32)
    emb_table = emb_table.at[PAD].set(0.0)
    bound = 1.0 / np.sqrt(EMB)
    W = jax.random.uniform(k4, (OUT, EMB), dtype=jnp.float32, minval=-bound, maxval=bound)
    b = jax.random.uniform(k5, (OUT,), dtype=jnp.float32, minval=-bound, maxval=bound)
    return {"ids": ids, "length": length, "emb_table": emb_table, "W": W, "b": b}

def reference(ids, length, emb_table, W, b):
    # padding_idx row is forced to zero (matches nn.Embedding padding_idx semantics)
    table = emb_table.at[PAD].set(0.0)
    embeddings = jnp.take(table, ids, axis=0)  # [B, L, EMB]
    # F.avg_pool2d with kernel (L, 1) over [B, L, EMB] == mean over dim 1
    pooled = jnp.mean(embeddings, axis=1)  # [B, EMB]
    return pooled @ W.T + b

if __name__ == "__main__":
    import jax
    _d = setup_inputs()
    print(jax.jit(kernel)(*tuple(_d.values())))

</pallas_src>

<mosaic_0001>
#map = affine_map<(d0, d1) -> (0, 0, 0)>
#map1 = affine_map<(d0, d1) -> (0, 0)>
module attributes {stable_mosaic.version = 14 : i64} {
  func.func @_sc_body(%arg0: i32, %arg1: i32, %arg2: memref<16384x2x100xi32, #tpu.memory_space<hbm>>, %arg3: memref<1000000x64xf32, #tpu.memory_space<hbm>>, %arg4: memref<16384x64xf32, #tpu.memory_space<hbm>>, %arg5: memref<64x2x100xi32, #tpu.memory_space<vmem>>, %arg6: memref<100x64xf32, #tpu.memory_space<vmem>>, %arg7: memref<100x64xf32, #tpu.memory_space<vmem>>, %arg8: memref<100x64xf32, #tpu.memory_space<vmem>>, %arg9: memref<100x64xf32, #tpu.memory_space<vmem>>, %arg10: memref<64x64xf32, #tpu.memory_space<vmem>>, %arg11: memref<!tpu.dma_semaphore, #tpu.memory_space<semaphore_mem>>, %arg12: memref<!tpu.dma_semaphore, #tpu.memory_space<semaphore_mem>>, %arg13: memref<!tpu.dma_semaphore, #tpu.memory_space<semaphore_mem>>, %arg14: memref<!tpu.dma_semaphore, #tpu.memory_space<semaphore_mem>>) attributes {dimension_semantics = [#tpu.dimension_semantics<core_parallel>, #tpu.dimension_semantics<subcore_parallel>], iteration_bounds = array<i64: 2, 16>, scalar_prefetch = 0 : i64, scratch_operands = 10 : i64, tpu.core_type = #tpu.core_type<sc_vector_subcore>, window_params = [{transform_indices = #map}, {transform_indices = #map1}, {transform_indices = #map1}]} {
    %mul3A = arith.constant 2 : i32
    %mul3A_0 = arith.muli %arg1, %mul3A : i32
    %add3A = arith.addi %mul3A_0, %arg0 : i32
    %scan3A = arith.constant 0 : i32
    %scan3A_1 = arith.constant 8 : i32
    %scan3A_2 = arith.addi %scan3A, %scan3A_1 : i32
    %scan3A_3 = arith.constant 1 : i32
    scf.for %scan3A_5 = %scan3A to %scan3A_2 step %scan3A_3  : i32 {
      %mul3A_6 = arith.constant 512 : i32
      %mul3A_7 = arith.muli %add3A, %mul3A_6 : i32
      %mul3A_8 = arith.constant 64 : i32
      %mul3A_9 = arith.muli %scan3A_5, %mul3A_8 : i32
      %add3A_10 = arith.addi %mul3A_7, %mul3A_9 : i32
      "tpu.region"() ({
        %run_scoped3A = tpu.sem_alloc : memref<!tpu.dma_semaphore, #tpu.memory_space<semaphore_mem>>
        %dma_start3A_31 = arith.constant 0 : i32
        %dma_start3A_32 = arith.constant 0 : i32
        %dma_start3A_33 = tpu.memref_slice %arg2[%add3A_10, %dma_start3A_31, %dma_start3A_32] : memref<16384x2x100xi32, #tpu.memory_space<hbm>> -> memref<64x2x100xi32, #tpu.memory_space<hbm>>
        %dma_start3A_34 = arith.constant 0 : i32
        %dma_start3A_35 = arith.constant 0 : i32
        %dma_start3A_36 = tpu.memref_slice %arg2[%add3A_10, %dma_start3A_34, %dma_start3A_35] : memref<16384x2x100xi32, #tpu.memory_space<hbm>> -> memref<64x2x100xi32, #tpu.memory_space<hbm>>
        tpu.enqueue_dma source(%dma_start3A_36 : memref<64x2x100xi32, #tpu.memory_space<hbm>>) target(%arg5 : memref<64x2x100xi32, #tpu.memory_space<vmem>>) target_semaphore(%run_scoped3A : memref<!tpu.dma_semaphore, #tpu.memory_space<semaphore_mem>>)
        %dma_wait3A = arith.constant 0 : i32
        %dma_wait3A_37 = arith.constant 0 : i32
        %dma_wait3A_38 = tpu.memref_slice %arg2[%add3A_10, %dma_wait3A, %dma_wait3A_37] : memref<16384x2x100xi32, #tpu.memory_space<hbm>> -> memref<64x2x100xi32, #tpu.memory_space<hbm>>
        %dma_wait3A_39 = arith.constant 0 : i32
        %dma_wait3A_40 = arith.constant 0 : i32
        %dma_wait3A_41 = tpu.memref_slice %arg2[%add3A_10, %dma_wait3A_39, %dma_wait3A_40] : memref<16384x2x100xi32, #tpu.memory_space<hbm>> -> memref<64x2x100xi32, #tpu.memory_space<hbm>>
        tpu.wait_dma2 semaphore(%run_scoped3A : memref<!tpu.dma_semaphore, #tpu.memory_space<semaphore_mem>>) src(%dma_wait3A_41 : memref<64x2x100xi32, #tpu.memory_space<hbm>>) dst(%arg5 : memref<64x2x100xi32, #tpu.memory_space<vmem>>)
        tpu.yield
      }) : () -> ()
      %dma_start3A = arith.constant 0 : i32
      %dma_start3A_11 = arith.constant 0 : i32
      %dma_start3A_12 = arith.constant 0 : i32
      %dma_start3A_13 = tpu.memref_slice %arg5[%dma_start3A, %dma_start3A_11, %dma_start3A_12] : memref<64x2x100xi32, #tpu.memory_space<vmem>> -> memref<1x1x100xi32, #tpu.memory_space<vmem>>
      %dma_start3A_14 = tpu.memref_squeeze %dma_start3A_13 : memref<1x1x100xi32, #tpu.memory_space<vmem>> -> memref<100xi32, #tpu.memory_space<vmem>>
      %dma_start3A_15 = arith.constant 0 : i32
      %dma_start3A_16 = arith.constant 0 : i32
      %dma_start3A_17 = tpu.memref_slice %arg3[%dma_start3A_15, %dma_start3A_16] : memref<1000000x64xf32, #tpu.memory_space<hbm>> -> memref<1000000x64xf32, #tpu.memory_space<hbm>>
      tpu.enqueue_indirect_dma source(%dma_start3A_17 : memref<1000000x64xf32, #tpu.memory_space<hbm>>) target(%arg6 : memref<100x64xf32, #tpu.memory_space<vmem>>) offsets(%dma_start3A_14 : memref<100xi32, #tpu.memory_space<vmem>>) semaphore(%arg11 : memref<!tpu.dma_semaphore, #tpu.memory_space<semaphore_mem>>)
      %dma_start3A_18 = arith.constant 0 : i32
      %dma_start3A_19 = arith.constant 1 : i32
      %dma_start3A_20 = arith.constant 0 : i32
      %dma_start3A_21 = tpu.memref_slice %arg5[%dma_start3A_18, %dma_start3A_19, %dma_start3A_20] : memref<64x2x100xi32, #tpu.memory_space<vmem>> -> memref<1x1x100xi32, #tpu.memory_space<vmem>>
      %dma_start3A_22 = tpu.memref_squeeze %dma_start3A_21 : memref<1x1x100xi32, #tpu.memory_space<vmem>> -> memref<100xi32, #tpu.memory_space<vmem>>
      %dma_start3A_23 = arith.constant 0 : i32
      %dma_start3A_24 = arith.constant 0 : i32
      %dma_start3A_25 = tpu.memref_slice %arg3[%dma_start3A_23, %dma_start3A_24] : memref<1000000x64xf32, #tpu.memory_space<hbm>> -> memref<1000000x64xf32, #tpu.memory_space<hbm>>
      tpu.enqueue_indirect_dma source(%dma_start3A_25 : memref<1000000x64xf32, #tpu.memory_space<hbm>>) target(%arg7 : memref<100x64xf32, #tpu.memory_space<vmem>>) offsets(%dma_start3A_22 : memref<100xi32, #tpu.memory_space<vmem>>) semaphore(%arg12 : memref<!tpu.dma_semaphore, #tpu.memory_space<semaphore_mem>>)
      %scan3A_26 = arith.constant 0 : i32
      %scan3A_27 = arith.constant 32 : i32
      %scan3A_28 = arith.addi %scan3A_26, %scan3A_27 : i32
      %scan3A_29 = arith.constant 1 : i32
      scf.for %scan3A_31 = %scan3A_26 to %scan3A_28 step %scan3A_29  : i32 {
        %mul3A_32 = arith.constant 2 : i32
        %mul3A_33 = arith.muli %mul3A_32, %scan3A_31 : i32
        %add3A_34 = arith.constant 1 : i32
        %add3A_35 = arith.addi %mul3A_33, %add3A_34 : i32
        %dma_start3A_36 = arith.constant 0 : i32
        %dma_start3A_37 = arith.constant 0 : i32
        %dma_start3A_38 = tpu.memref_slice %arg5[%add3A_35, %dma_start3A_36, %dma_start3A_37] : memref<64x2x100xi32, #tpu.memory_space<vmem>> -> memref<1x1x100xi32, #tpu.memory_space<vmem>>
        %dma_start3A_39 = tpu.memref_squeeze %dma_start3A_38 : memref<1x1x100xi32, #tpu.memory_space<vmem>> -> memref<100xi32, #tpu.memory_space<vmem>>
        %dma_start3A_40 = arith.constant 0 : i32
        %dma_start3A_41 = arith.constant 0 : i32
        %dma_start3A_42 = tpu.memref_slice %arg3[%dma_start3A_40, %dma_start3A_41] : memref<1000000x64xf32, #tpu.memory_space<hbm>> -> memref<1000000x64xf32, #tpu.memory_space<hbm>>
        tpu.enqueue_indirect_dma source(%dma_start3A_42 : memref<1000000x64xf32, #tpu.memory_space<hbm>>) target(%arg8 : memref<100x64xf32, #tpu.memory_space<vmem>>) offsets(%dma_start3A_39 : memref<100xi32, #tpu.memory_space<vmem>>) semaphore(%arg13 : memref<!tpu.dma_semaphore, #tpu.memory_space<semaphore_mem>>)
        %dma_start3A_43 = arith.constant 1 : i32
        %dma_start3A_44 = arith.constant 0 : i32
        %dma_start3A_45 = tpu.memref_slice %arg5[%add3A_35, %dma_start3A_43, %dma_start3A_44] : memref<64x2x100xi32, #tpu.memory_space<vmem>> -> memref<1x1x100xi32, #tpu.memory_space<vmem>>
        %dma_start3A_46 = tpu.memref_squeeze %dma_start3A_45 : memref<1x1x100xi32, #tpu.memory_space<vmem>> -> memref<100xi32, #tpu.memory_space<vmem>>
        %dma_start3A_47 = arith.constant 0 : i32
        %dma_start3A_48 = arith.constant 0 : i32
        %dma_start3A_49 = tpu.memref_slice %arg3[%dma_start3A_47, %dma_start3A_48] : memref<1000000x64xf32, #tpu.memory_space<hbm>> -> memref<1000000x64xf32, #tpu.memory_space<hbm>>
        tpu.enqueue_indirect_dma source(%dma_start3A_49 : memref<1000000x64xf32, #tpu.memory_space<hbm>>) target(%arg9 : memref<100x64xf32, #tpu.memory_space<vmem>>) offsets(%dma_start3A_46 : memref<100xi32, #tpu.memory_space<vmem>>) semaphore(%arg14 : memref<!tpu.dma_semaphore, #tpu.memory_space<semaphore_mem>>)
        %dma_wait3A = arith.constant 0 : i32
        %dma_wait3A_50 = arith.constant 0 : i32
        %dma_wait3A_51 = arith.constant 0 : i32
        %dma_wait3A_52 = tpu.memref_slice %arg5[%dma_wait3A, %dma_wait3A_50, %dma_wait3A_51] : memref<64x2x100xi32, #tpu.memory_space<vmem>> -> memref<1x1x100xi32, #tpu.memory_space<vmem>>
        %dma_wait3A_53 = tpu.memref_squeeze %dma_wait3A_52 : memref<1x1x100xi32, #tpu.memory_space<vmem>> -> memref<100xi32, #tpu.memory_space<vmem>>
        %dma_wait3A_54 = arith.constant 0 : i32
        %dma_wait3A_55 = arith.constant 0 : i32
        %dma_wait3A_56 = tpu.memref_slice %arg3[%dma_wait3A_54, %dma_wait3A_55] : memref<1000000x64xf32, #tpu.memory_space<hbm>> -> memref<1000000x64xf32, #tpu.memory_space<hbm>>
        tpu.wait_indirect_dma semaphore(%arg11 : memref<!tpu.dma_semaphore, #tpu.memory_space<semaphore_mem>>) src(%dma_wait3A_56 : memref<1000000x64xf32, #tpu.memory_space<hbm>>) dst(%arg6 : memref<100x64xf32, #tpu.memory_space<vmem>>)
        %dma_wait3A_57 = arith.constant 0 : i32
        %dma_wait3A_58 = arith.constant 1 : i32
        %dma_wait3A_59 = arith.constant 0 : i32
        %dma_wait3A_60 = tpu.memref_slice %arg5[%dma_wait3A_57, %dma_wait3A_58, %dma_wait3A_59] : memref<64x2x100xi32, #tpu.memory_space<vmem>> -> memref<1x1x100xi32, #tpu.memory_space<vmem>>
        %dma_wait3A_61 = tpu.memref_squeeze %dma_wait3A_60 : memref<1x1x100xi32, #tpu.memory_space<vmem>> -> memref<100xi32, #tpu.memory_space<vmem>>
        %dma_wait3A_62 = arith.constant 0 : i32
        %dma_wait3A_63 = arith.constant 0 : i32
        %dma_wait3A_64 = tpu.memref_slice %arg3[%dma_wait3A_62, %dma_wait3A_63] : memref<1000000x64xf32, #tpu.memory_space<hbm>> -> memref<1000000x64xf32, #tpu.memory_space<hbm>>
        tpu.wait_indirect_dma semaphore(%arg12 : memref<!tpu.dma_semaphore, #tpu.memory_space<semaphore_mem>>) src(%dma_wait3A_64 : memref<1000000x64xf32, #tpu.memory_space<hbm>>) dst(%arg7 : memref<100x64xf32, #tpu.memory_space<vmem>>)
        %broadcast_in_dim3A = arith.constant 0.000000e+00 : f32
        %broadcast_in_dim3A_65 = vector.broadcast %broadcast_in_dim3A : f32 to vector<16xf32>
        %broadcast_in_dim3A_66 = arith.constant 0.000000e+00 : f32
        %broadcast_in_dim3A_67 = vector.broadcast %broadcast_in_dim3A_66 : f32 to vector<16xf32>
        %broadcast_in_dim3A_68 = arith.constant 0.000000e+00 : f32
        %broadcast_in_dim3A_69 = vector.broadcast %broadcast_in_dim3A_68 : f32 to vector<16xf32>
        %broadcast_in_dim3A_70 = arith.constant 0.000000e+00 : f32
        %broadcast_in_dim3A_71 = vector.broadcast %broadcast_in_dim3A_70 : f32 to vector<16xf32>
        %scan3A_72 = arith.constant 0 : i32
        %scan3A_73 = arith.constant 100 : i32
        %scan3A_74 = arith.addi %scan3A_72, %scan3A_73 : i32
        %scan3A_75 = arith.constant 2 : i32
        %scan3A_76:4 = scf.for %scan3A_135 = %scan3A_72 to %scan3A_74 step %scan3A_75 iter_args(%scan3A_136 = %broadcast_in_dim3A_65, %scan3A_137 = %broadcast_in_dim3A_67, %scan3A_138 = %broadcast_in_dim3A_69, %scan3A_139 = %broadcast_in_dim3A_71) -> (vector<16xf32>, vector<16xf32>, vector<16xf32>, vector<16xf32>)  : i32 {
          %get3A = arith.index_cast %scan3A_135 : i32 to index
          %get3A_140 = arith.constant 0 : index
          %get3A_141 = tpu.vector_load %arg6[%get3A, %get3A_140] {strides = array<i32>} : memref<100x64xf32, #tpu.memory_space<vmem>>, vector<16xf32>,
          %add3A_142 = arith.addf %scan3A_136, %get3A_141 : vector<16xf32>
          %get3A_143 = arith.index_cast %scan3A_135 : i32 to index
          %get3A_144 = arith.constant 0 : index
          %get3A_145 = tpu.vector_load %arg7[%get3A_143, %get3A_144] {strides = array<i32>} : memref<100x64xf32, #tpu.memory_space<vmem>>, vector<16xf32>,
          %add3A_146 = arith.addf %add3A_142, %get3A_145 : vector<16xf32>
          %get3A_147 = arith.index_cast %scan3A_135 : i32 to index
          %get3A_148 = arith.constant 16 : index
          %get3A_149 = tpu.vector_load %arg6[%get3A_147, %get3A_148] {strides = array<i32>} : memref<100x64xf32, #tpu.memory_space<vmem>>, vector<16xf32>,
          %add3A_150 = arith.addf %scan3A_137, %get3A_149 : vector<16xf32>
          %get3A_151 = arith.index_cast %scan3A_135 : i32 to index
          %get3A_152 = arith.constant 16 : index
          %get3A_153 = tpu.vector_load %arg7[%get3A_151, %get3A_152] {strides = array<i32>} : memref<100x64xf32, #tpu.memory_space<vmem>>, vector<16xf32>,
          %add3A_154 = arith.addf %add3A_150, %get3A_153 : vector<16xf32>
          %get3A_155 = arith.index_cast %scan3A_135 : i32 to index
          %get3A_156 = arith.constant 32 : index
          %get3A_157 = tpu.vector_load %arg6[%get3A_155, %get3A_156] {strides = array<i32>} : memref<100x64xf32, #tpu.memory_space<vmem>>, vector<16xf32>,
          %add3A_158 = arith.addf %scan3A_138, %get3A_157 : vector<16xf32>
          %get3A_159 = arith.index_cast %scan3A_135 : i32 to index
          %get3A_160 = arith.constant 32 : index
          %get3A_161 = tpu.vector_load %arg7[%get3A_159, %get3A_160] {strides = array<i32>} : memref<100x64xf32, #tpu.memory_space<vmem>>, vector<16xf32>,
          %add3A_162 = arith.addf %add3A_158, %get3A_161 : vector<16xf32>
          %get3A_163 = arith.index_cast %scan3A_135 : i32 to index
          %get3A_164 = arith.constant 48 : index
          %get3A_165 = tpu.vector_load %arg6[%get3A_163, %get3A_164] {strides = array<i32>} : memref<100x64xf32, #tpu.memory_space<vmem>>, vector<16xf32>,
          %add3A_166 = arith.addf %scan3A_139, %get3A_165 : vector<16xf32>
          %get3A_167 = arith.index_cast %scan3A_135 : i32 to index
          %get3A_168 = arith.constant 48 : index
          %get3A_169 = tpu.vector_load %arg7[%get3A_167, %get3A_168] {strides = array<i32>} : memref<100x64xf32, #tpu.memory_space<vmem>>, vector<16xf32>,
          %add3A_170 = arith.addf %add3A_166, %get3A_169 : vector<16xf32>
          %scan3A_171 = arith.constant 1 : i32
          %scan3A_172 = arith.addi %scan3A_135, %scan3A_171 : i32
          %get3A_173 = arith.index_cast %scan3A_172 : i32 to index
          %get3A_174 = arith.constant 0 : index
          %get3A_175 = tpu.vector_load %arg6[%get3A_173, %get3A_174] {strides = array<i32>} : memref<100x64xf32, #tpu.memory_space<vmem>>, vector<16xf32>,
          %add3A_176 = arith.addf %add3A_146, %get3A_175 : vector<16xf32>
          %get3A_177 = arith.index_cast %scan3A_172 : i32 to index
          %get3A_178 = arith.constant 0 : index
          %get3A_179 = tpu.vector_load %arg7[%get3A_177, %get3A_178] {strides = array<i32>} : memref<100x64xf32, #tpu.memory_space<vmem>>, vector<16xf32>,
          %add3A_180 = arith.addf %add3A_176, %get3A_179 : vector<16xf32>
          %get3A_181 = arith.index_cast %scan3A_172 : i32 to index
          %get3A_182 = arith.constant 16 : index
          %get3A_183 = tpu.vector_load %arg6[%get3A_181, %get3A_182] {strides = array<i32>} : memref<100x64xf32, #tpu.memory_space<vmem>>, vector<16xf32>,
          %add3A_184 = arith.addf %add3A_154, %get3A_183 : vector<16xf32>
          %get3A_185 = arith.index_cast %scan3A_172 : i32 to index
          %get3A_186 = arith.constant 16 : index
          %get3A_187 = tpu.vector_load %arg7[%get3A_185, %get3A_186] {strides = array<i32>} : memref<100x64xf32, #tpu.memory_space<vmem>>, vector<16xf32>,
          %add3A_188 = arith.addf %add3A_184, %get3A_187 : vector<16xf32>
          %get3A_189 = arith.index_cast %scan3A_172 : i32 to index
          %get3A_190 = arith.constant 32 : index
          %get3A_191 = tpu.vector_load %arg6[%get3A_189, %get3A_190] {strides = array<i32>} : memref<100x64xf32, #tpu.memory_space<vmem>>, vector<16xf32>,
          %add3A_192 = arith.addf %add3A_162, %get3A_191 : vector<16xf32>
          %get3A_193 = arith.index_cast %scan3A_172 : i32 to index
          %get3A_194 = arith.constant 32 : index
          %get3A_195 = tpu.vector_load %arg7[%get3A_193, %get3A_194] {strides = array<i32>} : memref<100x64xf32, #tpu.memory_space<vmem>>, vector<16xf32>,
          %add3A_196 = arith.addf %add3A_192, %get3A_195 : vector<16xf32>
          %get3A_197 = arith.index_cast %scan3A_172 : i32 to index
          %get3A_198 = arith.constant 48 : index
          %get3A_199 = tpu.vector_load %arg6[%get3A_197, %get3A_198] {strides = array<i32>} : memref<100x64xf32, #tpu.memory_space<vmem>>, vector<16xf32>,
          %add3A_200 = arith.addf %add3A_170, %get3A_199 : vector<16xf32>
          %get3A_201 = arith.index_cast %scan3A_172 : i32 to index
          %get3A_202 = arith.constant 48 : index
          %get3A_203 = tpu.vector_load %arg7[%get3A_201, %get3A_202] {strides = array<i32>} : memref<100x64xf32, #tpu.memory_space<vmem>>, vector<16xf32>,
          %add3A_204 = arith.addf %add3A_200, %get3A_203 : vector<16xf32>
          scf.yield %add3A_180, %add3A_188, %add3A_196, %add3A_204 : vector<16xf32>, vector<16xf32>, vector<16xf32>, vector<16xf32>
        }
        %scan3A_77 = arith.constant 100 : i32
        %swap3A = arith.index_cast %mul3A_33 : i32 to index
        %swap3A_78 = arith.constant 0 : index
        %swap3A_79 = tpu.vector_load %arg10[%swap3A, %swap3A_78] {strides = array<i32>} : memref<64x64xf32, #tpu.memory_space<vmem>>, vector<16xf32>,
        tpu.vector_store %arg10[%swap3A, %swap3A_78], %scan3A_76#0 {strides = array<i32>} : memref<64x64xf32, #tpu.memory_space<vmem>>, vector<16xf32>,
        %swap3A_80 = arith.index_cast %mul3A_33 : i32 to index
        %swap3A_81 = arith.constant 16 : index
        %swap3A_82 = tpu.vector_load %arg10[%swap3A_80, %swap3A_81] {strides = array<i32>} : memref<64x64xf32, #tpu.memory_space<vmem>>, vector<16xf32>,
        tpu.vector_store %arg10[%swap3A_80, %swap3A_81], %scan3A_76#1 {strides = array<i32>} : memref<64x64xf32, #tpu.memory_space<vmem>>, vector<16xf32>,
        %swap3A_83 = arith.index_cast %mul3A_33 : i32 to index
        %swap3A_84 = arith.constant 32 : index
        %swap3A_85 = tpu.vector_load %arg10[%swap3A_83, %swap3A_84] {strides = array<i32>} : memref<64x64xf32, #tpu.memory_space<vmem>>, vector<16xf32>,
        tpu.vector_store %arg10[%swap3A_83, %swap3A_84], %scan3A_76#2 {strides = array<i32>} : memref<64x64xf32, #tpu.memory_space<vmem>>, vector<16xf32>,
        %swap3A_86 = arith.index_cast %mul3A_33 : i32 to index
        %swap3A_87 = arith.constant 48 : index
        %swap3A_88 = tpu.vector_load %arg10[%swap3A_86, %swap3A_87] {strides = array<i32>} : memref<64x64xf32, #tpu.memory_space<vmem>>, vector<16xf32>,
        tpu.vector_store %arg10[%swap3A_86, %swap3A_87], %scan3A_76#3 {strides = array<i32>} : memref<64x64xf32, #tpu.memory_space<vmem>>, vector<16xf32>,
        %lt3A = arith.constant 31 : i32
        %lt3A_89 = arith.cmpi slt, %scan3A_31, %lt3A : i32
        %convert_element_type3A = arith.extui %lt3A_89 : i1 to i32
        %cond3A = arith.constant 0 : i32
        %cond3A_90 = arith.cmpi ne, %convert_element_type3A, %cond3A : i32
        scf.if %cond3A_90 {
          %add3A_135 = arith.constant 2 : i32
          %add3A_136 = arith.addi %mul3A_33, %add3A_135 : i32
          %dma_start3A_137 = arith.constant 0 : i32
          %dma_start3A_138 = arith.constant 0 : i32
          %dma_start3A_139 = tpu.memref_slice %arg5[%add3A_136, %dma_start3A_137, %dma_start3A_138] : memref<64x2x100xi32, #tpu.memory_space<vmem>> -> memref<1x1x100xi32, #tpu.memory_space<vmem>>
          %dma_start3A_140 = tpu.memref_squeeze %dma_start3A_139 : memref<1x1x100xi32, #tpu.memory_space<vmem>> -> memref<100xi32, #tpu.memory_space<vmem>>
          %dma_start3A_141 = arith.constant 0 : i32
          %dma_start3A_142 = arith.constant 0 : i32
          %dma_start3A_143 = tpu.memref_slice %arg3[%dma_start3A_141, %dma_start3A_142] : memref<1000000x64xf32, #tpu.memory_space<hbm>> -> memref<1000000x64xf32, #tpu.memory_space<hbm>>
          tpu.enqueue_indirect_dma source(%dma_start3A_143 : memref<1000000x64xf32, #tpu.memory_space<hbm>>) target(%arg6 : memref<100x64xf32, #tpu.memory_space<vmem>>) offsets(%dma_start3A_140 : memref<100xi32, #tpu.memory_space<vmem>>) semaphore(%arg11 : memref<!tpu.dma_semaphore, #tpu.memory_space<semaphore_mem>>)
          %dma_start3A_144 = arith.constant 1 : i32
          %dma_start3A_145 = arith.constant 0 : i32
          %dma_start3A_146 = tpu.memref_slice %arg5[%add3A_136, %dma_start3A_144, %dma_start3A_145] : memref<64x2x100xi32, #tpu.memory_space<vmem>> -> memref<1x1x100xi32, #tpu.memory_space<vmem>>
          %dma_start3A_147 = tpu.memref_squeeze %dma_start3A_146 : memref<1x1x100xi32, #tpu.memory_space<vmem>> -> memref<100xi32, #tpu.memory_space<vmem>>
          %dma_start3A_148 = arith.constant 0 : i32
          %dma_start3A_149 = arith.constant 0 : i32
          %dma_start3A_150 = tpu.memref_slice %arg3[%dma_start3A_148, %dma_start3A_149] : memref<1000000x64xf32, #tpu.memory_space<hbm>> -> memref<1000000x64xf32, #tpu.memory_space<hbm>>
          tpu.enqueue_indirect_dma source(%dma_start3A_150 : memref<1000000x64xf32, #tpu.memory_space<hbm>>) target(%arg7 : memref<100x64xf32, #tpu.memory_space<vmem>>) offsets(%dma_start3A_147 : memref<100xi32, #tpu.memory_space<vmem>>) semaphore(%arg12 : memref<!tpu.dma_semaphore, #tpu.memory_space<semaphore_mem>>)
        } else {
        }
        %dma_wait3A_91 = arith.constant 0 : i32
        %dma_wait3A_92 = arith.constant 0 : i32
        %dma_wait3A_93 = arith.constant 0 : i32
        %dma_wait3A_94 = tpu.memref_slice %arg5[%dma_wait3A_91, %dma_wait3A_92, %dma_wait3A_93] : memref<64x2x100xi32, #tpu.memory_space<vmem>> -> memref<1x1x100xi32, #tpu.memory_space<vmem>>
        %dma_wait3A_95 = tpu.memref_squeeze %dma_wait3A_94 : memref<1x1x100xi32, #tpu.memory_space<vmem>> -> memref<100xi32, #tpu.memory_space<vmem>>
        %dma_wait3A_96 = arith.constant 0 : i32
        %dma_wait3A_97 = arith.constant 0 : i32
        %dma_wait3A_98 = tpu.memref_slice %arg3[%dma_wait3A_96, %dma_wait3A_97] : memref<1000000x64xf32, #tpu.memory_space<hbm>> -> memref<1000000x64xf32, #tpu.memory_space<hbm>>
        tpu.wait_indirect_dma semaphore(%arg13 : memref<!tpu.dma_semaphore, #tpu.memory_space<semaphore_mem>>) src(%dma_wait3A_98 : memref<1000000x64xf32, #tpu.memory_space<hbm>>) dst(%arg8 : memref<100x64xf32, #tpu.memory_space<vmem>>)
        %dma_wait3A_99 = arith.constant 0 : i32
        %dma_wait3A_100 = arith.constant 1 : i32
        %dma_wait3A_101 = arith.constant 0 : i32
        %dma_wait3A_102 = tpu.memref_slice %arg5[%dma_wait3A_99, %dma_wait3A_100, %dma_wait3A_101] : memref<64x2x100xi32, #tpu.memory_space<vmem>> -> memref<1x1x100xi32, #tpu.memory_space<vmem>>
        %dma_wait3A_103 = tpu.memref_squeeze %dma_wait3A_102 : memref<1x1x100xi32, #tpu.memory_space<vmem>> -> memref<100xi32, #tpu.memory_space<vmem>>
        %dma_wait3A_104 = arith.constant 0 : i32
        %dma_wait3A_105 = arith.constant 0 : i32
        %dma_wait3A_106 = tpu.memref_slice %arg3[%dma_wait3A_104, %dma_wait3A_105] : memref<1000000x64xf32, #tpu.memory_space<hbm>> -> memref<1000000x64xf32, #tpu.memory_space<hbm>>
        tpu.wait_indirect_dma semaphore(%arg14 : memref<!tpu.dma_semaphore, #tpu.memory_space<semaphore_mem>>) src(%dma_wait3A_106 : memref<1000000x64xf32, #tpu.memory_space<hbm>>) dst(%arg9 : memref<100x64xf32, #tpu.memory_space<vmem>>)
        %add3A_107 = arith.constant 1 : i32
        %add3A_108 = arith.addi %mul3A_33, %add3A_107 : i32
        %broadcast_in_dim3A_109 = arith.constant 0.000000e+00 : f32
        %broadcast_in_dim3A_110 = vector.broadcast %broadcast_in_dim3A_109 : f32 to vector<16xf32>
        %broadcast_in_dim3A_111 = arith.constant 0.000000e+00 : f32
        %broadcast_in_dim3A_112 = vector.broadcast %broadcast_in_dim3A_111 : f32 to vector<16xf32>
        %broadcast_in_dim3A_113 = arith.constant 0.000000e+00 : f32
        %broadcast_in_dim3A_114 = vector.broadcast %broadcast_in_dim3A_113 : f32 to vector<16xf32>
        %broadcast_in_dim3A_115 = arith.constant 0.000000e+00 : f32
        %broadcast_in_dim3A_116 = vector.broadcast %broadcast_in_dim3A_115 : f32 to vector<16xf32>
        %scan3A_117 = arith.constant 0 : i32
        %scan3A_118 = arith.constant 100 : i32
        %scan3A_119 = arith.addi %scan3A_117, %scan3A_118 : i32
        %scan3A_120 = arith.constant 2 : i32
        %scan3A_121:4 = scf.for %scan3A_135 = %scan3A_117 to %scan3A_119 step %scan3A_120 iter_args(%scan3A_136 = %broadcast_in_dim3A_110, %scan3A_137 = %broadcast_in_dim3A_112, %scan3A_138 = %broadcast_in_dim3A_114, %scan3A_139 = %broadcast_in_dim3A_116) -> (vector<16xf32>, vector<16xf32>, vector<16xf32>, vector<16xf32>)  : i32 {
          %get3A = arith.index_cast %scan3A_135 : i32 to index
          %get3A_140 = arith.constant 0 : index
          %get3A_141 = tpu.vector_load %arg8[%get3A, %get3A_140] {strides = array<i32>} : memref<100x64xf32, #tpu.memory_space<vmem>>, vector<16xf32>,
          %add3A_142 = arith.addf %scan3A_136, %get3A_141 : vector<16xf32>
          %get3A_143 = arith.index_cast %scan3A_135 : i32 to index
          %get3A_144 = arith.constant 0 : index
          %get3A_145 = tpu.vector_load %arg9[%get3A_143, %get3A_144] {strides = array<i32>} : memref<100x64xf32, #tpu.memory_space<vmem>>, vector<16xf32>,
          %add3A_146 = arith.addf %add3A_142, %get3A_145 : vector<16xf32>
          %get3A_147 = arith.index_cast %scan3A_135 : i32 to index
          %get3A_148 = arith.constant 16 : index
          %get3A_149 = tpu.vector_load %arg8[%get3A_147, %get3A_148] {strides = array<i32>} : memref<100x64xf32, #tpu.memory_space<vmem>>, vector<16xf32>,
          %add3A_150 = arith.addf %scan3A_137, %get3A_149 : vector<16xf32>
          %get3A_151 = arith.index_cast %scan3A_135 : i32 to index
          %get3A_152 = arith.constant 16 : index
          %get3A_153 = tpu.vector_load %arg9[%get3A_151, %get3A_152] {strides = array<i32>} : memref<100x64xf32, #tpu.memory_space<vmem>>, vector<16xf32>,
          %add3A_154 = arith.addf %add3A_150, %get3A_153 : vector<16xf32>
          %get3A_155 = arith.index_cast %scan3A_135 : i32 to index
          %get3A_156 = arith.constant 32 : index
          %get3A_157 = tpu.vector_load %arg8[%get3A_155, %get3A_156] {strides = array<i32>} : memref<100x64xf32, #tpu.memory_space<vmem>>, vector<16xf32>,
          %add3A_158 = arith.addf %scan3A_138, %get3A_157 : vector<16xf32>
          %get3A_159 = arith.index_cast %scan3A_135 : i32 to index
          %get3A_160 = arith.constant 32 : index
          %get3A_161 = tpu.vector_load %arg9[%get3A_159, %get3A_160] {strides = array<i32>} : memref<100x64xf32, #tpu.memory_space<vmem>>, vector<16xf32>,
          %add3A_162 = arith.addf %add3A_158, %get3A_161 : vector<16xf32>
          %get3A_163 = arith.index_cast %scan3A_135 : i32 to index
          %get3A_164 = arith.constant 48 : index
          %get3A_165 = tpu.vector_load %arg8[%get3A_163, %get3A_164] {strides = array<i32>} : memref<100x64xf32, #tpu.memory_space<vmem>>, vector<16xf32>,
          %add3A_166 = arith.addf %scan3A_139, %get3A_165 : vector<16xf32>
          %get3A_167 = arith.index_cast %scan3A_135 : i32 to index
          %get3A_168 = arith.constant 48 : index
          %get3A_169 = tpu.vector_load %arg9[%get3A_167, %get3A_168] {strides = array<i32>} : memref<100x64xf32, #tpu.memory_space<vmem>>, vector<16xf32>,
          %add3A_170 = arith.addf %add3A_166, %get3A_169 : vector<16xf32>
          %scan3A_171 = arith.constant 1 : i32
          %scan3A_172 = arith.addi %scan3A_135, %scan3A_171 : i32
          %get3A_173 = arith.index_cast %scan3A_172 : i32 to index
          %get3A_174 = arith.constant 0 : index
          %get3A_175 = tpu.vector_load %arg8[%get3A_173, %get3A_174] {strides = array<i32>} : memref<100x64xf32, #tpu.memory_space<vmem>>, vector<16xf32>,
          %add3A_176 = arith.addf %add3A_146, %get3A_175 : vector<16xf32>
          %get3A_177 = arith.index_cast %scan3A_172 : i32 to index
          %get3A_178 = arith.constant 0 : index
          %get3A_179 = tpu.vector_load %arg9[%get3A_177, %get3A_178] {strides = array<i32>} : memref<100x64xf32, #tpu.memory_space<vmem>>, vector<16xf32>,
          %add3A_180 = arith.addf %add3A_176, %get3A_179 : vector<16xf32>
          %get3A_181 = arith.index_cast %scan3A_172 : i32 to index
          %get3A_182 = arith.constant 16 : index
          %get3A_183 = tpu.vector_load %arg8[%get3A_181, %get3A_182] {strides = array<i32>} : memref<100x64xf32, #tpu.memory_space<vmem>>, vector<16xf32>,
          %add3A_184 = arith.addf %add3A_154, %get3A_183 : vector<16xf32>
          %get3A_185 = arith.index_cast %scan3A_172 : i32 to index
          %get3A_186 = arith.constant 16 : index
          %get3A_187 = tpu.vector_load %arg9[%get3A_185, %get3A_186] {strides = array<i32>} : memref<100x64xf32, #tpu.memory_space<vmem>>, vector<16xf32>,
          %add3A_188 = arith.addf %add3A_184, %get3A_187 : vector<16xf32>
          %get3A_189 = arith.index_cast %scan3A_172 : i32 to index
          %get3A_190 = arith.constant 32 : index
          %get3A_191 = tpu.vector_load %arg8[%get3A_189, %get3A_190] {strides = array<i32>} : memref<100x64xf32, #tpu.memory_space<vmem>>, vector<16xf32>,
          %add3A_192 = arith.addf %add3A_162, %get3A_191 : vector<16xf32>
          %get3A_193 = arith.index_cast %scan3A_172 : i32 to index
          %get3A_194 = arith.constant 32 : index
          %get3A_195 = tpu.vector_load %arg9[%get3A_193, %get3A_194] {strides = array<i32>} : memref<100x64xf32, #tpu.memory_space<vmem>>, vector<16xf32>,
          %add3A_196 = arith.addf %add3A_192, %get3A_195 : vector<16xf32>
          %get3A_197 = arith.index_cast %scan3A_172 : i32 to index
          %get3A_198 = arith.constant 48 : index
          %get3A_199 = tpu.vector_load %arg8[%get3A_197, %get3A_198] {strides = array<i32>} : memref<100x64xf32, #tpu.memory_space<vmem>>, vector<16xf32>,
          %add3A_200 = arith.addf %add3A_170, %get3A_199 : vector<16xf32>
          %get3A_201 = arith.index_cast %scan3A_172 : i32 to index
          %get3A_202 = arith.constant 48 : index
          %get3A_203 = tpu.vector_load %arg9[%get3A_201, %get3A_202] {strides = array<i32>} : memref<100x64xf32, #tpu.memory_space<vmem>>, vector<16xf32>,
          %add3A_204 = arith.addf %add3A_200, %get3A_203 : vector<16xf32>
          scf.yield %add3A_180, %add3A_188, %add3A_196, %add3A_204 : vector<16xf32>, vector<16xf32>, vector<16xf32>, vector<16xf32>
        }
        %scan3A_122 = arith.constant 100 : i32
        %swap3A_123 = arith.index_cast %add3A_108 : i32 to index
        %swap3A_124 = arith.constant 0 : index
        %swap3A_125 = tpu.vector_load %arg10[%swap3A_123, %swap3A_124] {strides = array<i32>} : memref<64x64xf32, #tpu.memory_space<vmem>>, vector<16xf32>,
        tpu.vector_store %arg10[%swap3A_123, %swap3A_124], %scan3A_121#0 {strides = array<i32>} : memref<64x64xf32, #tpu.memory_space<vmem>>, vector<16xf32>,
        %swap3A_126 = arith.index_cast %add3A_108 : i32 to index
        %swap3A_127 = arith.constant 16 : index
        %swap3A_128 = tpu.vector_load %arg10[%swap3A_126, %swap3A_127] {strides = array<i32>} : memref<64x64xf32, #tpu.memory_space<vmem>>, vector<16xf32>,
        tpu.vector_store %arg10[%swap3A_126, %swap3A_127], %scan3A_121#1 {strides = array<i32>} : memref<64x64xf32, #tpu.memory_space<vmem>>, vector<16xf32>,
        %swap3A_129 = arith.index_cast %add3A_108 : i32 to index
        %swap3A_130 = arith.constant 32 : index
        %swap3A_131 = tpu.vector_load %arg10[%swap3A_129, %swap3A_130] {strides = array<i32>} : memref<64x64xf32, #tpu.memory_space<vmem>>, vector<16xf32>,
        tpu.vector_store %arg10[%swap3A_129, %swap3A_130], %scan3A_121#2 {strides = array<i32>} : memref<64x64xf32, #tpu.memory_space<vmem>>, vector<16xf32>,
        %swap3A_132 = arith.index_cast %add3A_108 : i32 to index
        %swap3A_133 = arith.constant 48 : index
        %swap3A_134 = tpu.vector_load %arg10[%swap3A_132, %swap3A_133] {strides = array<i32>} : memref<64x64xf32, #tpu.memory_space<vmem>>, vector<16xf32>,
        tpu.vector_store %arg10[%swap3A_132, %swap3A_133], %scan3A_121#3 {strides = array<i32>} : memref<64x64xf32, #tpu.memory_space<vmem>>, vector<16xf32>,
      }
      %scan3A_30 = arith.constant 32 : i32
      "tpu.region"() ({
        %run_scoped3A = tpu.sem_alloc : memref<!tpu.dma_semaphore, #tpu.memory_space<semaphore_mem>>
        %dma_start3A_31 = arith.constant 0 : i32
        %dma_start3A_32 = tpu.memref_slice %arg4[%add3A_10, %dma_start3A_31] : memref<16384x64xf32, #tpu.memory_space<hbm>> -> memref<64x64xf32, #tpu.memory_space<hbm>>
        %dma_start3A_33 = arith.constant 0 : i32
        %dma_start3A_34 = tpu.memref_slice %arg4[%add3A_10, %dma_start3A_33] : memref<16384x64xf32, #tpu.memory_space<hbm>> -> memref<64x64xf32, #tpu.memory_space<hbm>>
        tpu.enqueue_dma source(%arg10 : memref<64x64xf32, #tpu.memory_space<vmem>>) target(%dma_start3A_34 : memref<64x64xf32, #tpu.memory_space<hbm>>) target_semaphore(%run_scoped3A : memref<!tpu.dma_semaphore, #tpu.memory_space<semaphore_mem>>)
        %dma_wait3A = arith.constant 0 : i32
        %dma_wait3A_35 = tpu.memref_slice %arg4[%add3A_10, %dma_wait3A] : memref<16384x64xf32, #tpu.memory_space<hbm>> -> memref<64x64xf32, #tpu.memory_space<hbm>>
        %dma_wait3A_36 = arith.constant 0 : i32
        %dma_wait3A_37 = tpu.memref_slice %arg4[%add3A_10, %dma_wait3A_36] : memref<16384x64xf32, #tpu.memory_space<hbm>> -> memref<64x64xf32, #tpu.memory_space<hbm>>
        tpu.wait_dma2 semaphore(%run_scoped3A : memref<!tpu.dma_semaphore, #tpu.memory_space<semaphore_mem>>) src(%arg10 : memref<64x64xf32, #tpu.memory_space<vmem>>) dst(%dma_wait3A_37 : memref<64x64xf32, #tpu.memory_space<hbm>>)
        tpu.yield
      }) : () -> ()
    }
    %scan3A_4 = arith.constant 8 : i32
    return
  }
}

module attributes {stable_mosaic.version = 14 : i64} {
  func.func @_tc_matmul_body(%arg0: i32, %arg1: memref<2048x64xf32, #tpu.memory_space<vmem>>, %arg2: memref<128x64xf32, #tpu.memory_space<vmem>>, %arg3: memref<1x128xf32, #tpu.memory_space<vmem>>, %arg4: memref<2048x128xf32, #tpu.memory_space<vmem>>) attributes {dimension_semantics = [#tpu.dimension_semantics<arbitrary>], iteration_bounds = array<i64: 8>, scalar_prefetch = 0 : i64, scratch_operands = 0 : i64, tpu.core_type = #tpu.core_type<tc>, window_params = [{transform_indices = @transform_0, window_bounds = array<i64: 2048, 64>}, {pipeline_mode = #tpu.pipeline_mode<synchronous>, transform_indices = @transform_1, window_bounds = array<i64: 128, 64>}, {pipeline_mode = #tpu.pipeline_mode<synchronous>, transform_indices = @transform_2, window_bounds = array<i64: 1, 128>}, {transform_indices = @transform_3, window_bounds = array<i64: 2048, 128>}]} {
    %get3A = arith.constant 0 : index
    %get3A_0 = arith.constant 0 : index
    %get3A_1 = vector.load %arg1[%get3A, %get3A_0] : memref<2048x64xf32, #tpu.memory_space<vmem>>, vector<2048x64xf32>
    %get3A_2 = arith.constant 0 : index
    %get3A_3 = arith.constant 0 : index
    %get3A_4 = vector.load %arg2[%get3A_2, %get3A_3] : memref<128x64xf32, #tpu.memory_space<vmem>>, vector<128x64xf32>
    %dot_general3A = arith.constant dense<0.000000e+00> : vector<2048x128xf32>
    %dot_general3A_5 = tpu.matmul %get3A_1, %get3A_4, %dot_general3A {dimension_numbers = #tpu.dot_dimension_numbers<[1], [1], [0], [0], [0, 0, 1, 0], [], []>, transpose_lhs_hint = false} : vector<2048x64xf32>, vector<128x64xf32>, vector<2048x128xf32> -> vector<2048x128xf32>
    %mul3A = arith.constant 5.000000e-03 : f32
    %mul3A_6 = vector.broadcast %mul3A : f32 to vector<2048x128xf32>
    %mul3A_7 = arith.mulf %dot_general3A_5, %mul3A_6 : vector<2048x128xf32>
    %get3A_8 = arith.constant 0 : index
    %get3A_9 = arith.constant 0 : index
    %get3A_10 = vector.load %arg3[%get3A_8, %get3A_9] : memref<1x128xf32, #tpu.memory_space<vmem>>, vector<1x128xf32>
    %add3A = vector.broadcast %get3A_10 : vector<1x128xf32> to vector<2048x128xf32>
    %add3A_11 = arith.addf %mul3A_7, %add3A : vector<2048x128xf32>
    %swap3A = arith.constant 0 : index
    %swap3A_12 = arith.constant 0 : index
    %swap3A_13 = vector.load %arg4[%swap3A, %swap3A_12] : memref<2048x128xf32, #tpu.memory_space<vmem>>, vector<2048x128xf32>
    tpu.vector_store %arg4[%swap3A, %swap3A_12], %add3A_11 {strides = array<i32>} : memref<2048x128xf32, #tpu.memory_space<vmem>>, vector<2048x128xf32>,
    return
  }
  func.func @transform_0(%arg0: i32) -> (i32, i32) {
    %c0_i32 = arith.constant 0 : i32
    %c0_i32_0 = arith.constant 0 : i32
    return %arg0, %c0_i32 : i32, i32
  }
  func.func @transform_1(%arg0: i32) -> (i32, i32) {
    %c0_i32 = arith.constant 0 : i32
    %c0_i32_0 = arith.constant 0 : i32
    %c0_i32_1 = arith.constant 0 : i32
    return %c0_i32, %c0_i32_0 : i32, i32
  }
  func.func @transform_2(%arg0: i32) -> (i32, i32) {
    %c0_i32 = arith.constant 0 : i32
    %c0_i32_0 = arith.constant 0 : i32
    %c0_i32_1 = arith.constant 0 : i32
    return %c0_i32, %c0_i32_0 : i32, i32
  }
  func.func @transform_3(%arg0: i32) -> (i32, i32) {
    %c0_i32 = arith.constant 0 : i32
    %c0_i32_0 = arith.constant 0 : i32
    return %arg0, %c0_i32 : i32, i32
  }
}

</mosaic_0001>

<sc_bundles>
// kernel: kernel.4.cloned.1.call-start
scs
__scs_entry_jumppad:
0x0: {  	(pc) =	sbr.rel $0x88, $3  }
0x1: {  	(tag) =	ssettag $0x0;
	lr =	simm.s32 $0x1  }
0x2: {  	[smem:$0x3F9D] =	sst lr;
	_ =	strace $0xD0000000  }
0x3: {  	_ = 	snop  }
0x4: {  	_ = 	snop  }
0x5: {  	_ = 	snop  }
0x6: {  	_ = 	snop  }
0x7: {  	_ = 	snop  }
__scs_overlays_trampoline_lowered:
0x8: {  	[smem:$0x3FAC] =	sst s0  }
0x9: {  	[smem:$0x3FAD] =	sst s1  }
0xa: {  	[smem:$0x3FAE] =	sst s2  }
0xb: {  	[smem:$0x3FAF] =	sst s3  }
0xc: {  	[smem:$0x3FB0] =	sst s4  }
0xd: {  	[smem:$0x3FB1] =	sst s5  }
0xe: {  	[smem:$0x3FB2] =	sst s6  }
0xf: {  	[smem:$0x3FB3] =	sst s7  }
0x10: {  	[smem:$0x3FB4] =	sst s8  }
0x11: {  	[smem:$0x3FB5] =	sst s9;
	s0 =	simm.s32 @!p0 $0x0  }
0x12: {  	s1 =	sld [smem:$0x3F9B];
	s0 =	simm.s32 @p0 $0x1  }
0x13: {  	[smem:$0x3FB6] =	sst s0;
	s0 =	simm.s32 @!p1 $0x0  }
0x14: {  	s2 =	sld [smem:$0x3F9A];
	s0 =	simm.s32 @p1 $0x1  }
0x15: {  	[smem:$0x3FB7] =	sst s0;
	s0 =	simm.s32 @!p2 $0x0  }
0x16: {  	s3 =	sld [smem:$0x3FDB];
	s0 =	simm.s32 @p2 $0x1  }
0x17: {  	s4 =	simm.s32 $0x1BF5;
	[smem:$0x3FB9] =	sst s0  }
0x18: {  	s0 =	sld [smem:$0x3F9C];
	_ =	swait.ge [sflag:s4], $0x0  }
0x19: {  	s7 =	sld [smem:$0x3F9D]  }
0x1a: {  	s8 =	sadd.s32 $0xFFFFE003, lr  }
0x1b: {  	s9 =	sadd.s32 $0xFFFFFEF7, lr;
	s5 =	simm.s32 $0xFFFFFFFF;
	p2 =	slt.u32 s8, $0xFFFFF086  }
0x1c: {  	p1 =	slt.u32 s9, $0xF7A;
	s5 =	simm.s32 @!p2 $0x0  }
0x1d: {  	s5 =	simm.s32 @p1 $0x1;
	p0 =	seq.s32 s7, s2  }
0x1e: {  	s7 =	smul.u32 @!p0 $0xF7A, s2;
	p2 =	seq.s32 @!p0 s5, $0x0  }
0x1f: {  	s9 =	smul.u32 $0xF7A, s1;
	s8 =	simm.s32 @!p0 $0x1BF5;
	p2 =	por !p2, p0  }
0x20: {  	[sflag:s8] =	ssyncset.s32 @!p0 $0xFFFFF086;
	s6 =	sadd.s32 @!p0 s3, s7;
	s7 =	simm.s32 @!p0 $0x108  }
0x21: {  	s3 =	sadd.s32 s3, s9;
	s6 =	sadd.s32 @!p0 $0x88, s6;
	s7 =	simm.s32 @p2 $0x1082  }
0x22: {  	[simem:s7], [sflag:s8] =	dma.local @!p0 [hbm:s6], $0xF7A  }
0x23: {  	s9 =	sor.u32 $0xD0000000, s2;
	s6 =	simm.s32 $0x108;
	_ =	swait.ge @!p0 [sflag:s8], $0x0  }
0x24: {  	s3 =	sadd.s32 $0x88, s3;
	s6 =	simm.s32 @!p1 $0x1082;
	[sflag:s4] =	ssyncset.s32 $0xFFFFF086  }
0x25: {  	[simem:s6], [sflag:s4] =	dma.local [hbm:s3], $0xF7A  }
0x26: {  	[smem:$0x3F9D] =	sst s1;
	(tag) =	ssettag s2;
	_ =	strace s9  }
0x27: {  	s1 =	sld [smem:$0x3FAD]  }
0x28: {  	s2 =	sld [smem:$0x3FAE]  }
0x29: {  	s4 =	sld [smem:$0x3FB0]  }
0x2a: {  	p0 =	seq.s32 s5, $0x0;
	s5 =	sld [smem:$0x3FB1]  }
0x2b: {  	s6 =	sld [smem:$0x3FB2]  }
0x2c: {  	s7 =	sld [smem:$0x3FB3]  }
0x2d: {  	s3 =	simm.s32 $0x108;
	s8 =	sld [smem:$0x3FB4]  }
0x2e: {  	s3 =	simm.s32 @!p0 $0x1082;
	s9 =	sld [smem:$0x3FB5]  }
0x2f: {  	lr =	sadd.s32 s0, s3;
	s0 =	sld [smem:$0x3FAC]  }
0x30: {  	s3 =	sld [smem:$0x3FAF]  }
0x31: {  	[smem:$0x3FB8] =	sst s10  }
0x32: {  	s10 =	sld [smem:$0x3FB6];
	_ =	sdelay $0x3  }
0x33: {  	p0 =	seq.s32 s10, $0x1;
	s10 =	sld [smem:$0x3FB8];
	_ =	sdelay $0x3  }
0x34: {  	[smem:$0x3FB8] =	sst s10  }
0x35: {  	s10 =	sld [smem:$0x3FB7];
	_ =	sdelay $0x3  }
0x36: {  	p1 =	seq.s32 s10, $0x1;
	s10 =	sld [smem:$0x3FB8];
	_ =	sdelay $0x3  }
0x37: {  	[smem:$0x3FB8] =	sst s10  }
0x38: {  	s10 =	sld [smem:$0x3FB9]  }
0x39: {  	_ = 	snop;
	(pc) =	sbr.ind lr, $3  }
0x3a: {  	_ = 	snop  }
0x3b: {  	_ = 	snop  }
0x3c: {  	p2 =	seq.s32 s10, $0x1;
	s10 =	sld [smem:$0x3FB8]  }
0x3d: {  	_ =	shalt  }
0x3e: {  	_ =	shalt  }
0x3f: {  	_ =	shalt  }
0x40: {  	_ =	shalt  }
0x41: {  	_ =	shalt  }
0x42: {  	_ =	shalt  }
0x43: {  	_ =	shalt  }
0x44: {  	_ =	shalt  }
0x45: {  	_ =	shalt  }
0x46: {  	_ =	shalt  }
0x47: {  	_ =	shalt  }
0x48: {  	_ =	shalt  }
0x49: {  	_ =	shalt  }
0x4a: {  	_ =	shalt  }
0x4b: {  	_ =	shalt  }
0x4c: {  	_ =	shalt  }
0x4d: {  	_ =	shalt  }
0x4e: {  	_ =	shalt  }
0x4f: {  	_ =	shalt  }
0x50: {  	_ =	shalt  }
0x51: {  	_ =	shalt  }
0x52: {  	_ =	shalt  }
0x53: {  	_ =	shalt  }
0x54: {  	_ =	shalt  }
0x55: {  	_ =	shalt  }
0x56: {  	_ =	shalt  }
0x57: {  	_ =	shalt  }
0x58: {  	_ =	shalt  }
0x59: {  	_ =	shalt  }
0x5a: {  	_ =	shalt  }
0x5b: {  	_ =	shalt  }
0x5c: {  	_ =	shalt  }
0x5d: {  	_ =	shalt  }
0x5e: {  	_ =	shalt  }
0x5f: {  	_ =	shalt  }
0x60: {  	_ =	shalt  }
0x61: {  	_ =	shalt  }
0x62: {  	_ =	shalt  }
0x63: {  	_ =	shalt  }
0x64: {  	_ =	shalt  }
0x65: {  	_ =	shalt  }
0x66: {  	_ =	shalt  }
0x67: {  	_ =	shalt  }
0x68: {  	_ =	shalt  }
0x69: {  	_ =	shalt  }
0x6a: {  	_ =	shalt  }
0x6b: {  	_ =	shalt  }
0x6c: {  	_ =	shalt  }
0x6d: {  	_ =	shalt  }
0x6e: {  	_ =	shalt  }
0x6f: {  	_ =	shalt  }
0x70: {  	_ =	shalt  }
0x71: {  	_ =	shalt  }
0x72: {  	_ =	shalt  }
0x73: {  	_ =	shalt  }
0x74: {  	_ =	shalt  }
0x75: {  	_ =	shalt  }
0x76: {  	_ =	shalt  }
0x77: {  	_ =	shalt  }
0x78: {  	_ =	shalt  }
0x79: {  	_ =	shalt  }
0x7a: {  	_ =	shalt  }
0x7b: {  	_ =	shalt  }
0x7c: {  	_ =	shalt  }
0x7d: {  	_ =	shalt  }
0x7e: {  	_ =	shalt  }
0x7f: {  	_ =	shalt  }
0x80: {  	_ =	shalt  }
0x81: {  	_ =	shalt  }
0x82: {  	_ =	shalt  }
0x83: {  	_ =	shalt  }
0x84: {  	_ =	shalt  }
0x85: {  	_ =	shalt  }
0x86: {  	_ =	shalt  }
0x87: {  	_ =	shalt  }
.Lfunc_end0:
.L_simem_size_0:
called_computation_lowered:
.L_overlay_start_0:
0x88: {  	s2 =	sld [smem:$0x3FD9]  }
0x89: {  	s3 =	sld [smem:$0x3FFE];
	_ =	sdelay $0x1  }
0x8a: {  	s1 =	srdreg.scid  }
0x8b: {  	s0 =	sand.u32 $0x1, s1  }
0x8c: {  	s17 =	sshll.u32 s0, $0xA;
	s2 =	sadd.s32 s3, s2  }
0x8d: {  	s2 =	sadd.s32 s2, s17  }
0x8e: {  	[smem:$0x3FC4] =	sst s2  }
0x8f: {  	_ = 	snop  }
0x90: {  	s2 =	sld [smem:$0x3FD0];
	(tm) =	ssettm $0x1  }
0x91: {  	s18 =	sld [smem:$0x3FFB];
	_ =	sdelay $0x3  }
0x92: {  	_ =	strace s18  }
0x93: {  	s3 =	sld [smem:$0x3FFC];
	_ =	sdelay $0x3  }
0x94: {  	_ =	strace s3  }
0x95: {  	s3 =	sld [smem:$0x3FFD];
	_ =	sdelay $0x3  }
0x96: {  	_ =	strace s3  }
0x97: {  	_ =	strace $0x8FFFFFFF  }
0x98: {  	s19 =	sld [smem:$0x3FDB];
	_ =	sdelay $0x1  }
0x99: {  	s4 =	simm.s32 $_scs_section_size  }
0x9a: {  	s5 =	simm.s32 $_size__tile_overlayer_lowered;
	s6 =	simm.s32 $_tile_overlayer_lowered  }
0x9b: {  	s22 =	simm.s32 $0x1BFF;
	s21 =	sshll.u32 s6, $0x1;
	s3 =	sadd.s32 s4, s19  }
0x9c: {  	s7 =	simm.s32 $0x0;
	s20 =	sshll.u32 s5, $0x1;
	s5 =	sadd.s32 s21, s3  }
0x9d: {  	[timem:s7], [sflag:s22] =	dma.local [hbm:s5], s20  }
0x9e: {  	_ =	swait.ge [sflag:s22], s20  }
0x9f: {  	s4 =	ssub.s32 $0x0, s20;
	[sflag:s22] =	ssyncset.done $0x0  }
0xa0: {  	[sflag:s22] =	ssyncadd.s32 s4;
	_ =	sdelay $0x1  }
0xa1: {  	s23 =	simm.s32 $0x1B8B  }
0xa2: {  	_ =	swait.ge [sflag:s23], $0x1  }
0xa3: {  	[sflag:s23] =	ssyncset.done $0x0  }
0xa4: {  	s25 =	simm.s32 $0x1B8E;
	s24 =	sld [smem:$0x3FFE];
	[sflag:s23] =	ssyncadd.s32 $0xFFFFFFFF  }
0xa5: {  	s26 =	simm.s32 $execute0_lowered;
	[smem:$0x3FD2] =	sst s25  }
0xa6: {  	s5 =	sshll.u32 s26, $0x1;
	_ =	strace $0x80000046;
	[dreg:$0x1] =	wrdreg $0xFFFFFFFF  }
0xa7: {  	s28 =	simm.s32 $_size_execute0_lowered;
	s3 =	sadd.s32 s3, s5;
	[dreg:$0x0] =	wrdreg $0x0  }
0xa8: {  	s5 =	sshll.u32 s28, $0x1;
	[dreg:$0x2] =	wrdreg s3  }
0xa9: {  	[dreg:$0x3] =	wrdreg s5  }
0xaa: {  	[dreg:$0x4] =	wrdreg $0xC0  }
0xab: {  	_ =	task [dreg:s7], $0x5FFFF  }
0xac: {  	[dreg:$0x1] =	wrdreg $0xFFFFFFFF  }
0xad: {  	[dreg:$0x0] =	wrdreg $0x60  }
0xae: {  	[dreg:$0x2] =	wrdreg s24  }
0xaf: {  	[dreg:$0x3] =	wrdreg s2  }
0xb0: {  	[dreg:$0x4] =	wrdreg $0x9  }
0xb1: {  	_ =	task.clear_ibuf [dreg:s7], $0x5FFFF;
	_ =	strace $0x90000046  }
0xb2: {  	s29 =	simm.s32 $0x9;
	_ =	strace $0x80000048  }
0xb3: {  	_ =	swait.ge [sflag:s29], $0x1  }
0xb4: {  	[sflag:s29] =	ssyncadd.s32 $0xFFFFFFFF  }
0xb5: {  	_ =	strace $0x90000048  }
0xb6: {  	_ =	sfence  }
0xb7: {  	s30 =	sld [smem:$0x0];
	_ =	sdelay $0x2  }
0xb8: {  	s31 =	sshll.u32 s1, $0xD;
	s1 =	sshrl.u32 s1, $0x2  }
0xb9: {  	s3 =	sand.u32 $0x4000, s31;
	s1 =	sadd.s32 s1, s30  }
0xba: {  	s0 =	sor.u32 s3, s0;
	s1 =	sshll.u32 s1, $0x11  }
0xbb: {  	s0 =	sor.u32 s1, s0  }
0xbc: {  	s0 =	sadd.s32 $0x8F2B, s0  }
0xbd: {  	[sflag:s0] =	ssyncadd.remote.s32 $0x1  }
0xbe: {  	_ =	sfence.sel $0xFFFF  }
0xbf: {  	[dreg:$0x0] =	wrdreg $0xFFFFFFFF;
	(pc) =	sbr.abs _section_cstart, $3  }
0xc0: {  	[dreg:$0x1] =	wrdreg $0xFFFFFFFF  }
0xc1: {  	_ =	task.clear_ibuf [dreg:s7], $0x2FFFF;
	_ =	strace $0x9FFFFFFF  }
0xc2: {  	(tm) =	ssettm $0x7FFFFFFF  }
0xc3: {  	_ =	shalt  }
tec
execute0_lowered:
.L_overlay_start_1:
0x0: {  	(tag) =	ssettag $0x1  }
0x1: {  	s3 =	rddreg [dreg:$0x0]  }
0x2: {  	s1 =	rddreg [dreg:$0x1]  }
0x3: {  	s0 =	rddreg [dreg:$0x2];
	s2 =	simm.s32 $0x0  }
0x4: {  	s4 =	srdreg.scid;
	s9 =	simm.s32 $0x64;
	s10 =	simm.s32 $0x3400  }
0x5: {  	s11 =	simm.s32 $0x68;
	s12 =	simm.s32 $0x4D00;
	s13 =	simm.s32 $0x6600  }
0x6: {  	s14 =	simm.s32 $0x7F00;
	s15 =	simm.s32 $0x1;
	s16 =	simm.s32 $0x2  }
0x7: {  	s17 =	simm.s32 $0x3;
	s18 =	simm.s32 $0x4;
	s19 =	simm.s32 $0x9800  }
0x8: {  	s20 =	simm.s32 $0x0;
	[smem:$0x7FF] =	sst s2;
	s6 =	sand.u32 $0x1, s4  }
0x9: {  	s4 =	sadd.s32 $0x80A00, s3;
	s5 =	sadd.s32 $0xF42E00, s3;
	s7 =	ssub.s32 $0x2, s6  }
0xa: {  	s3 =	stileid.u32;
	_ =	strace $0x80000047;
	s8 =	sshrl.u32 s7, $0x1  }
0xb: {  	s31 =	sshll.u32 s3, $0xA;
	s6 =	sshll.u32 s6, $0x9;
	s7 =	ssub.s32 s7, s8  }
0xc: {  	s6 =	sor.u32 s6, s31;
	s8 =	simm.s32 $0x5;
	s7 =	smax.u32 s7, $0x1  }
.LBB2_1:
0xd: {  	s21 =	simm.s32 $0x0  }
.LBB2_2:
0xe: {  	s22 =	sshll.u32 s21, $0x6  }
0xf: {  	s22 =	sadd.s32 s6, s22  }
0x10: {  	s23 =	smul.u32 $0x1A, s22;
	_ =	sdelay $0x1  }
0x11: {  	s24 =	sadd.s32 s4, s23;
	s23 =	simm.s32 $0x0  }
0x12: {  	[tilespmem:s23], [sflag:$0x5] =	stream.linear.gather [hbm4b:s24+s23], $0x3400, $0x38;
	[tilespmem:$0xA800] =	vst v63  }
0x13: {  	_ =	swait.ge [sflag:s8], $0x3400  }
0x14: {  	[sflag:s8] =	ssyncset.done $0x0  }
0x15: {  	[sflag:s8] =	ssyncadd.s32 $0xFFFFCC00  }
0x16: {  	[tilespmem:s10], [sflag:$0x1] =	stream.indirect.gather [hbm4b:s5+s9], $0x40, s23, s9, $0xb8;
	[tilespmem:$0xA800] =	vst v63  }
0x17: {  	_ = 	snop  }
0x18: {  	[tilespmem:s12], [sflag:$0x2] =	stream.indirect.gather [hbm4b:s5+s9], $0x40, s11, s9, $0xb8;
	[tilespmem:$0xA800] =	vst v63  }
.LBB2_3:
0x19: {  	s24 =	sshllo.u32 s23, $0x1  }
0x1a: {  	s25 =	smul.u32 $0x340, s24;
	_ =	sdelay $0x1  }
0x1b: {  	s25 =	sshra.s32 s25, $0x2  }
0x1c: {  	[tilespmem:s13], [sflag:$0x3] =	stream.indirect.gather [hbm4b:s5+s9], $0x40, s25, s9, $0xb8;
	[tilespmem:$0xA800] =	vst v63  }
0x1d: {  	s25 =	sadd.s32 $0x68, s25  }
0x1e: {  	[tilespmem:s14], [sflag:$0x4] =	stream.indirect.gather [hbm4b:s5+s9], $0x40, s25, s9, $0xb8;
	[tilespmem:$0xA800] =	vst v63  }
0x1f: {  	_ =	swait.ge [sflag:s15], $0x1900  }
0x20: {  	[sflag:s15] =	ssyncset.done $0x0  }
0x21: {  	[sflag:s15] =	ssyncadd.s32 $0xFFFFE700  }
0x22: {  	_ =	swait.ge [sflag:s16], $0x1900  }
0x23: {  	[sflag:s16] =	ssyncset.done $0x0  }
0x24: {  	s28 =	simm.s32 $0x4D40;
	[sflag:s16] =	ssyncadd.s32 $0xFFFFE700  }
0x25: {  	v0 =	vld [tilespmem:s28+$0x0]  }
0x26: {  	s25 =	simm.s32 $0x3440;
	v1 =	vld [tilespmem:s28+$0x10]  }
0x27: {  	v2 =	vld [tilespmem:s25+$0x0]  }
0x28: {  	v3 =	vld [tilespmem:s25+$0x10]  }
0x29: {  	v7 =	vld [tilespmem:s28+$0xFFFFFFC0]  }
0x2a: {  	v12 =	vld [tilespmem:s28+$0xFFFFFFD0]  }
0x2b: {  	v4 =	vld [tilespmem:s25+$0xFFFFFFC0]  }
0x2c: {  	v6 =	vld [tilespmem:s25+$0xFFFFFFD0]  }
0x2d: {  	v10 =	vld [tilespmem:s25+$0xFFFFFFE0]  }
0x2e: {  	v13 =	vld [tilespmem:s25+$0xFFFFFFF0]  }
0x2f: {  	v8 =	vld [tilespmem:s28+$0xFFFFFFE0]  }
0x30: {  	v9 =	vld [tilespmem:s28+$0xFFFFFFF0]  }
0x31: {  	v14 =	vimm.f32 $0.0e+00;
	v5 =	vld [tilespmem:s25+$0x20]  }
0x32: {  	v15 =	vadd.f32 v4, v14;
	v16 =	vadd.f32 v6, v14;
	v6 =	vld [tilespmem:s25+$0x30]  }
0x33: {  	v11 =	vadd.f32 v10, v14;
	v10 =	vadd.f32 v13, v14;
	v4 =	vld [tilespmem:s28+$0x20]  }
0x34: {  	s26 =	simm.s32 $0x0;
	v13 =	vadd.f32 v7, v15;
	v12 =	vadd.f32 v12, v16;
	v7 =	vld [tilespmem:s28+$0x30];
	s28 =	simm.s32 $0x4DC0  }
.LBB2_4:
0x35: {  	v14 =	vld [tilespmem:s28+$0x0];
	v8 =	vadd.f32 v8, v11;
	v9 =	vadd.f32 v9, v10  }
0x36: {  	s25 =	sadd.s32 $0x80, s25;
	v10 =	vld [tilespmem:s28+$0x10];
	v11 =	vadd.f32 v2, v13;
	v12 =	vadd.f32 v3, v12  }
0x37: {  	v2 =	vld [tilespmem:s25+$0x0];
	v5 =	vadd.f32 v5, v8;
	v6 =	vadd.f32 v6, v9  }
0x38: {  	v3 =	vld [tilespmem:s25+$0x10];
	v11 =	vadd.f32 v0, v11;
	v12 =	vadd.f32 v1, v12  }
0x39: {  	v13 =	vld [tilespmem:s28+$0xFFFFFFC0];
	v4 =	vadd.f32 v4, v5;
	v7 =	vadd.f32 v7, v6  }
0x3a: {  	v15 =	vld [tilespmem:s28+$0xFFFFFFD0];
	v0 =	vmov v14  }
0x3b: {  	v6 =	vld [tilespmem:s25+$0xFFFFFFC0];
	v1 =	vmov v10  }
0x3c: {  	v10 =	vld [tilespmem:s25+$0xFFFFFFD0]  }
0x3d: {  	v14 =	vld [tilespmem:s25+$0xFFFFFFE0]  }
0x3e: {  	s26 =	sadd.s32 $0x2, s26;
	v16 =	vld [tilespmem:s25+$0xFFFFFFF0]  }
0x3f: {  	p0 =	slt.u32 s26, $0x62;
	v8 =	vld [tilespmem:s28+$0xFFFFFFE0]  }
.Ltmp0:
0x40: {  	v9 =	vld [tilespmem:s28+$0xFFFFFFF0];
	(pc) =	sbr.rel @p0 .LBB2_4-.Ltmp0, $4  }
0x41: {  	v5 =	vld [tilespmem:s25+$0x20]  }
0x42: {  	v17 =	vadd.f32 v6, v11;
	v12 =	vadd.f32 v10, v12;
	v6 =	vld [tilespmem:s25+$0x30]  }
0x43: {  	v11 =	vadd.f32 v14, v4;
	v10 =	vadd.f32 v16, v7;
	v4 =	vld [tilespmem:s28+$0x20]  }
0x44: {  	v13 =	vadd.f32 v13, v17;
	v12 =	vadd.f32 v15, v12;
	v7 =	vld [tilespmem:s28+$0x30];
	s28 =	sadd.s32 $0x80, s28  }
0x45: {  	_ = 	snop  }
0x46: {  	v8 =	vadd.f32 v8, v11;
	v2 =	vadd.f32 v2, v13  }
0x47: {  	v9 =	vadd.f32 v9, v10;
	v3 =	vadd.f32 v3, v12  }
0x48: {  	s25 =	sshll.u32 s23, $0x7;
	v5 =	vadd.f32 v5, v8;
	v0 =	vadd.f32 v0, v2  }
0x49: {  	p0 =	seq.s32 s23, $0x1F;
	s25 =	sand.u32 $0x3FFFFF80, s25;
	v2 =	vadd.f32 v6, v9;
	v1 =	vadd.f32 v1, v3  }
0x4a: {  	s26 =	smul.u32 @!p0 $0x680, s23;
	v3 =	vadd.f32 v4, v5;
	[tilespmem:s25+$0x9800] =	vst v0  }
0x4b: {  	v0 =	vadd.f32 v7, v2;
	[tilespmem:s25+$0x9810] =	vst v1  }
0x4c: {  	s26 =	sshra.s32 @!p0 s26, $0x2;
	[tilespmem:s25+$0x9820] =	vst v3  }
0x4d: {  	s28 =	simm.s32 @!p0 $0x64;
	s29 =	simm.s32 @!p0 $0x3400;
	[tilespmem:s25+$0x9830] =	vst v0;
	s25 =	sadd.s32 @!p0 $0x1A0, s26  }
0x4e: {  	[tilespmem:s29], [sflag:$0x1] =	stream.indirect.gather @!p0 [hbm4b:s5+s28], $0x40, s25, s28, $0xb8;
	[tilespmem:$0xA800] =	vst v63  }
0x4f: {  	s25 =	sadd.s32 @!p0 $0x208, s26;
	s26 =	simm.s32 @!p0 $0x4D00  }
0x50: {  	[tilespmem:s26], [sflag:$0x2] =	stream.indirect.gather @!p0 [hbm4b:s5+s28], $0x40, s25, s28, $0xb8;
	[tilespmem:$0xA800] =	vst v63  }
0x51: {  	_ =	swait.ge [sflag:s17], $0x1900  }
0x52: {  	[sflag:s17] =	ssyncset.done $0x0  }
0x53: {  	[sflag:s17] =	ssyncadd.s32 $0xFFFFE700  }
0x54: {  	_ =	swait.ge [sflag:s18], $0x1900  }
0x55: {  	[sflag:s18] =	ssyncset.done $0x0  }
0x56: {  	s28 =	simm.s32 $0x7F40;
	[sflag:s18] =	ssyncadd.s32 $0xFFFFE700  }
0x57: {  	v0 =	vld [tilespmem:s28+$0x0]  }
0x58: {  	s25 =	simm.s32 $0x6640;
	v1 =	vld [tilespmem:s28+$0x10]  }
0x59: {  	v2 =	vld [tilespmem:s25+$0x0]  }
0x5a: {  	v3 =	vld [tilespmem:s25+$0x10]  }
0x5b: {  	v8 =	vld [tilespmem:s28+$0xFFFFFFC0]  }
0x5c: {  	v12 =	vld [tilespmem:s28+$0xFFFFFFD0]  }
0x5d: {  	v5 =	vld [tilespmem:s25+$0xFFFFFFC0]  }
0x5e: {  	v6 =	vld [tilespmem:s25+$0xFFFFFFD0]  }
0x5f: {  	v10 =	vld [tilespmem:s25+$0xFFFFFFE0]  }
0x60: {  	v13 =	vld [tilespmem:s25+$0xFFFFFFF0]  }
0x61: {  	v7 =	vld [tilespmem:s28+$0xFFFFFFE0]  }
0x62: {  	v9 =	vld [tilespmem:s28+$0xFFFFFFF0]  }
0x63: {  	v14 =	vimm.f32 $0.0e+00;
	v4 =	vld [tilespmem:s25+$0x20]  }
0x64: {  	v15 =	vadd.f32 v5, v14;
	v16 =	vadd.f32 v6, v14;
	v6 =	vld [tilespmem:s25+$0x30]  }
0x65: {  	v11 =	vadd.f32 v10, v14;
	v10 =	vadd.f32 v13, v14;
	v5 =	vld [tilespmem:s28+$0x20]  }
0x66: {  	s26 =	simm.s32 $0x0;
	v13 =	vadd.f32 v8, v15;
	v12 =	vadd.f32 v12, v16;
	v8 =	vld [tilespmem:s28+$0x30];
	s28 =	simm.s32 $0x7FC0  }
.LBB2_6:
0x67: {  	v14 =	vld [tilespmem:s28+$0x0];
	v7 =	vadd.f32 v7, v11;
	v9 =	vadd.f32 v9, v10  }
0x68: {  	s25 =	sadd.s32 $0x80, s25;
	v10 =	vld [tilespmem:s28+$0x10];
	v11 =	vadd.f32 v2, v13;
	v12 =	vadd.f32 v3, v12  }
0x69: {  	v2 =	vld [tilespmem:s25+$0x0];
	v4 =	vadd.f32 v4, v7;
	v6 =	vadd.f32 v6, v9  }
0x6a: {  	v3 =	vld [tilespmem:s25+$0x10];
	v11 =	vadd.f32 v0, v11;
	v12 =	vadd.f32 v1, v12  }
0x6b: {  	v13 =	vld [tilespmem:s28+$0xFFFFFFC0];
	v5 =	vadd.f32 v5, v4;
	v8 =	vadd.f32 v8, v6  }
0x6c: {  	v15 =	vld [tilespmem:s28+$0xFFFFFFD0];
	v0 =	vmov v14  }
0x6d: {  	v6 =	vld [tilespmem:s25+$0xFFFFFFC0];
	v1 =	vmov v10  }
0x6e: {  	v10 =	vld [tilespmem:s25+$0xFFFFFFD0]  }
0x6f: {  	v14 =	vld [tilespmem:s25+$0xFFFFFFE0]  }
0x70: {  	s26 =	sadd.s32 $0x2, s26;
	v16 =	vld [tilespmem:s25+$0xFFFFFFF0]  }
0x71: {  	p0 =	slt.u32 s26, $0x62;
	v7 =	vld [tilespmem:s28+$0xFFFFFFE0]  }
.Ltmp1:
0x72: {  	v9 =	vld [tilespmem:s28+$0xFFFFFFF0];
	(pc) =	sbr.rel @p0 .LBB2_6-.Ltmp1, $4  }
0x73: {  	v4 =	vld [tilespmem:s25+$0x20]  }
0x74: {  	v17 =	vadd.f32 v6, v11;
	v12 =	vadd.f32 v10, v12;
	v6 =	vld [tilespmem:s25+$0x30]  }
0x75: {  	v11 =	vadd.f32 v14, v5;
	v10 =	vadd.f32 v16, v8;
	v5 =	vld [tilespmem:s28+$0x20]  }
0x76: {  	v13 =	vadd.f32 v13, v17;
	v12 =	vadd.f32 v15, v12;
	v8 =	vld [tilespmem:s28+$0x30];
	s28 =	sadd.s32 $0x80, s28  }
0x77: {  	_ = 	snop  }
0x78: {  	v7 =	vadd.f32 v7, v11;
	v2 =	vadd.f32 v2, v13  }
0x79: {  	v9 =	vadd.f32 v9, v10;
	s23 =	sadd.s32 $0x1, s23;
	v3 =	vadd.f32 v3, v12  }
0x7a: {  	s24 =	sshll.u32 s24, $0x6;
	p0 =	sne.s32 s23, $0x20;
	v4 =	vadd.f32 v4, v7;
	v0 =	vadd.f32 v0, v2  }
.Ltmp2:
0x7b: {  	s24 =	sand.u32 $0x3FFFFFC0, s24;
	v61 =	vadd.f32 v6, v9;
	v1 =	vadd.f32 v1, v3;
	(pc) =	sbr.rel @p0 .LBB2_3-.Ltmp2, $4  }
0x7c: {  	v62 =	vadd.f32 v5, v4;
	[tilespmem:s24+$0x9800] =	vst v0  }
0x7d: {  	v63 =	vadd.f32 v8, v61;
	[tilespmem:s24+$0x9810] =	vst v1  }
0x7e: {  	[tilespmem:s24+$0x9820] =	vst v62  }
0x7f: {  	[tilespmem:s24+$0x9830] =	vst v63  }
0x80: {  	s21 =	sadd.s32 $0x1, s21  }
0x81: {  	s22 =	sshll.u32 s22, $0x3;
	p0 =	sne.s32 s21, $0x8  }
.Ltmp3:
0x82: {  	s22 =	sadd.s32 s1, s22;
	(pc) =	sbr.rel @p0 .LBB2_2-.Ltmp3, $4  }
0x83: {  	[hbm4b:s22+s2] =	stream.linear.scatter [tilespmem:s19], [sflag:$0x5], $0x1000, $0x38;
	[tilespmem:$0xA800] =	vst v63  }
0x84: {  	_ =	swait.ge [sflag:s8], $0x1000  }
0x85: {  	[sflag:s8] =	ssyncset.done $0x0  }
0x86: {  	[sflag:s8] =	ssyncadd.s32 $0xFFFFF000  }
0x87: {  	s20 =	sadd.s32 $0x1, s20  }
0x88: {  	p0 =	sne.s32 s20, s7  }
.Ltmp4:
0x89: {  	_ = 	snop;
	(pc) =	sbr.rel @p0 .LBB2_1-.Ltmp4, $1  }
0x8a: {  	_ =	sdelay $0x3  }
0x8b: {  	_ =	sfence.sel $0x180000  }
0x8c: {  	[bflag:$0x0] =	sbarrier.arrive $0xFFFF  }
0x8d: {  	p0 =	sne.s32 s3, $0x0;
	_ =	strace $0x90000047  }
0x8e: {  	s0 =	sadd.s32 @!p0 $0x100000, s0;
	[bflag:$0x2] =	sbarrier.arrive $0xFFFF  }
0x8f: {  	[sflag:s0] =	ssyncadd.tile.s32 @!p0 $0x1;
	_ =	shalt  }
.Lfunc_end2:
_tile_overlayer_lowered:
.L_overlay_start_2:
0x90: {  	(tag) =	ssettag $0x2  }
0x91: {  	s0 =	rddreg [dreg:$0x0];
	s2 =	stileid.u32  }
0x92: {  	s1 =	rddreg [dreg:$0x1];
	p0 =	sne.s32 s2, $0x0  }
0x93: {  	s3 =	rddreg [dreg:$0x2];
	[bflag:$0x3] =	sbarrier.arrive $0xFFFF;
	s2 =	simm.s32 @!p0 $0x1C05  }
0x94: {  	[timem:s3], [sflag:s2] =	dma.local @!p0 [hbm:s0], s1  }
0x95: {  	s0 =	simm.s32 @!p0 $0x5  }
0x96: {  	_ =	swait.ge @!p0 [sflag:s0], s1  }
0x97: {  	s1 =	ssub.s32 @!p0 $0x0, s1;
	[sflag:s0] =	ssyncset.done @!p0 $0x0  }
0x98: {  	[sflag:s0] =	ssyncadd.s32 @!p0 s1  }
0x99: {  	[bflag:$0x3] =	sbarrier.arrive $0xFFFF  }
0x9a: {  	_ =	shalt  }

</sc_bundles>
